<compile_context>
chip_gen: v7x
topology: tpu7x:2x2x1
jax: 0.10.2.dev20260603
libtpu: 0.0.44.dev20260713+nightly
codegen_flags: <defaults>
</compile_context>

<pallas_src>
import functools

import jax
import jax.numpy as jnp
from jax import lax
from jax.experimental import pallas as pl
from jax.experimental.pallas import tpu as pltpu
from jax.experimental.pallas import tpu_sc as plsc

VOCAB = 100000
N_HIDDEN = 128
B = 16384
F = 26
TOT = B * F
NW = 32
COLS_W = B // NW
LANES = 16

VB = 12800
TC_GRID = (VOCAB + VB - 1) // VB
VB_TAIL = VOCAB - (TC_GRID - 1) * VB
XB = B // TC_GRID
FXB = F * XB


def _project_body(e_ref, w_ref, b_ref, xt_ref, o_ref, xf_ref):
    i = pl.program_id(0)
    e = e_ref[...]
    w = w_ref[...]
    row = (
        lax.dot_general(w, e, (((1,), (1,)), ((), ())),
                        preferred_element_type=jnp.float32)
        + b_ref[0, 0]
    ).reshape(VB)

    @pl.when(i < TC_GRID - 1)
    def _():
        o_ref[pl.ds(i * VB, VB)] = row

    @pl.when(i == TC_GRID - 1)
    def _():
        o_ref[pl.ds((TC_GRID - 1) * VB, VB_TAIL)] = row[:VB_TAIL]

    xf_ref[...] = xt_ref[...].reshape(FXB)


def _project_table(emb, W, b2d, xt):
    return pl.pallas_call(
        _project_body,
        grid=(TC_GRID,),
        in_specs=[
            pl.BlockSpec((VB, N_HIDDEN), lambda i: (i, 0)),
            pl.BlockSpec((1, N_HIDDEN), lambda i: (0, 0)),
            pl.BlockSpec((1, 1), lambda i: (0, 0)),
            pl.BlockSpec((F, XB), lambda i: (0, i)),
        ],
        out_specs=[
            pl.BlockSpec((VOCAB,), lambda i: (0,)),
            pl.BlockSpec((FXB,), lambda i: (i,)),
        ],
        out_shape=[
            jax.ShapeDtypeStruct((VOCAB,), jnp.float32),
            jax.ShapeDtypeStruct((TC_GRID * FXB,), jnp.int32),
        ],
    )(emb, W, b2d, xt)


def _sc_gather_body(v_hbm, xf_hbm, yt_hbm, v_v, xin_v, out_v, sem_v, sem_i):
    wid = lax.axis_index("s") * 2 + lax.axis_index("c")
    g = wid // (XB // COLS_W)
    c0 = (wid % (XB // COLS_W)) * COLS_W
    base = wid * COLS_W
    cp_v = pltpu.async_copy(v_hbm, v_v, sem_v)
    cp_i = pltpu.async_copy(
        xf_hbm.at[g, pl.ds(0, F), pl.ds(c0, COLS_W)], xin_v, sem_i
    )
    cp_v.wait()
    cp_i.wait()

    CW = COLS_W // LANES
    FH = F // 2

    def gather_rows(f0, nf):
        @plsc.parallel_loop(0, nf * CW, step=1, unroll=8)
        def per_chunk(i):
            f = f0 + i // CW
            c = (i % CW) * LANES
            idx = xin_v[f, pl.ds(c, LANES)]
            out_v[f, pl.ds(c, LANES)] = plsc.load_gather(v_v, [idx])

    gather_rows(0, FH)
    cp_o = pltpu.async_copy(
        out_v.at[pl.ds(0, FH)], yt_hbm.at[pl.ds(0, FH), pl.ds(base, COLS_W)],
        sem_i,
    )
    gather_rows(FH, F - FH)
    pltpu.sync_copy(
        out_v.at[pl.ds(FH, F - FH)],
        yt_hbm.at[pl.ds(FH, F - FH), pl.ds(base, COLS_W)],
    )
    cp_o.wait()


@functools.cache
def _sc_gather():
    mesh = plsc.VectorSubcoreMesh(core_axis_name="c", subcore_axis_name="s")
    return pl.kernel(
        _sc_gather_body,
        out_type=jax.ShapeDtypeStruct((F, B), jnp.float32),
        mesh=mesh,
        scratch_types=[
            pltpu.VMEM((VOCAB,), jnp.float32),
            pltpu.VMEM((F, COLS_W), jnp.int32),
            pltpu.VMEM((F, COLS_W), jnp.float32),
            pltpu.SemaphoreType.DMA,
            pltpu.SemaphoreType.DMA,
        ],
        compiler_params=pltpu.CompilerParams(
            needs_layout_passes=False, use_tc_tiling_on_sc=False
        ),
    )


def kernel(x, emb, W, b):
    v, xf = _project_table(emb, W, b.reshape(1, 1), x.T)
    yt = _sc_gather()(v, xf.reshape(TC_GRID, F, XB))
    return lax.reshape(yt, (B, F, 1), dimensions=(1, 0))

# --- scband reference (transcript-rebuilt; emitter-appended) ---
"""Pipeline reference for scband-vnetwork-48163763257679 (READ-ONLY COPY).

The authoritative reference and input builder live on the scoring server;
editing this copy changes nothing except your own understanding.
"""

import jax, jax.numpy as jnp
import numpy as np

VOCAB = 100000
N_HIDDEN = 128
B = 16384
F = 26

def setup_inputs(seed: int = 0) -> dict:
    key = jax.random.key(seed)
    k1, k2, k3 = jax.random.split(key, 3)
    x = jax.random.randint(k1, (B, F), 0, VOCAB, dtype=jnp.int64)
    # nn.Embedding default init: N(0, 1)
    emb = jax.random.normal(k2, (VOCAB, N_HIDDEN), dtype=jnp.float32)
    # nn.Linear(n_hidden, 1): weight [1, n_hidden], bias [1]
    bound = 1.0 / np.sqrt(N_HIDDEN)
    W = jax.random.uniform(k3, (1, N_HIDDEN), dtype=jnp.float32, minval=-bound, maxval=bound)
    b = jnp.zeros((1,), dtype=jnp.float32)
    return {"x": x, "emb": emb, "W": W, "b": b}

def reference(x, emb, W, b):
    # VNetwork.forward: x -> Embedding -> Linear(n_hidden, 1)
    h = jnp.take(emb, x, axis=0)          # [B, F, N_HIDDEN]
    out = h @ W.T + b                      # [B, F, 1]
    return out

if __name__ == "__main__":
    import jax
    _d = setup_inputs()
    print(jax.jit(kernel)(*tuple(_d.values())))

</pallas_src>

<mosaic_0001>
#map = affine_map<(d0, d1) -> (0)>
#map1 = affine_map<(d0, d1) -> (0, 0, 0)>
#map2 = affine_map<(d0, d1) -> (0, 0)>
module attributes {stable_mosaic.version = 14 : i64} {
  func.func @_sc_gather_body(%arg0: i32, %arg1: i32, %arg2: memref<100000xf32, #tpu.memory_space<hbm>>, %arg3: memref<8x26x2048xi32, #tpu.memory_space<hbm>>, %arg4: memref<26x16384xf32, #tpu.memory_space<hbm>>, %arg5: memref<100000xf32, #tpu.memory_space<vmem>>, %arg6: memref<26x512xi32, #tpu.memory_space<vmem>>, %arg7: memref<26x512xf32, #tpu.memory_space<vmem>>, %arg8: memref<!tpu.dma_semaphore, #tpu.memory_space<semaphore_mem>>, %arg9: memref<!tpu.dma_semaphore, #tpu.memory_space<semaphore_mem>>) attributes {dimension_semantics = [#tpu.dimension_semantics<core_parallel>, #tpu.dimension_semantics<subcore_parallel>], iteration_bounds = array<i64: 2, 16>, scalar_prefetch = 0 : i64, scratch_operands = 5 : i64, tpu.core_type = #tpu.core_type<sc_vector_subcore>, window_params = [{transform_indices = #map}, {transform_indices = #map1}, {transform_indices = #map2}]} {
    %mul3A = arith.constant 2 : i32
    %mul3A_0 = arith.muli %arg1, %mul3A : i32
    %add3A = arith.addi %mul3A_0, %arg0 : i32
    %jit3A = arith.constant 4 : i32
    %div3A = arith.divsi %add3A, %jit3A : i32
    %sign3A = arith.constant 0 : i32
    %sign3A_1 = arith.cmpi sgt, %add3A, %sign3A : i32
    %sign3A_2 = arith.extui %sign3A_1 : i1 to i32
    %sign3A_3 = arith.constant 0 : i32
    %sign3A_4 = arith.cmpi slt, %add3A, %sign3A_3 : i32
    %sign3A_5 = arith.extui %sign3A_4 : i1 to i32
    %sign3A_6 = arith.subi %sign3A_2, %sign3A_5 : i32
    %sign3A_7 = arith.constant 0 : i32
    %sign3A_8 = arith.cmpi sgt, %jit3A, %sign3A_7 : i32
    %sign3A_9 = arith.extui %sign3A_8 : i1 to i32
    %sign3A_10 = arith.constant 0 : i32
    %sign3A_11 = arith.cmpi slt, %jit3A, %sign3A_10 : i32
    %sign3A_12 = arith.extui %sign3A_11 : i1 to i32
    %sign3A_13 = arith.subi %sign3A_9, %sign3A_12 : i32
    %ne3A = arith.cmpi ne, %sign3A_6, %sign3A_13 : i32
    %rem3A = arith.remsi %add3A, %jit3A : i32
    %ne3A_14 = arith.constant 0 : i32
    %ne3A_15 = arith.cmpi ne, %rem3A, %ne3A_14 : i32
    %and3A = arith.andi %ne3A, %ne3A_15 : i1
    %sub3A = arith.constant 1 : i32
    %sub3A_16 = arith.subi %div3A, %sub3A : i32
    %select_n3A = arith.select %and3A, %sub3A_16, %div3A : i32
    %jit3A_17 = arith.constant 4 : i32
    %eq3A = arith.constant 0 : i32
    %eq3A_18 = arith.cmpi eq, %jit3A_17, %eq3A : i32
    %jit3A_19 = arith.constant 1 : i32
    %select_n3A_20 = arith.select %eq3A_18, %jit3A_19, %jit3A_17 : i32
    %rem3A_21 = arith.remsi %add3A, %select_n3A_20 : i32
    %ne3A_22 = arith.constant 0 : i32
    %ne3A_23 = arith.cmpi ne, %rem3A_21, %ne3A_22 : i32
    %lt3A = arith.constant 0 : i32
    %lt3A_24 = arith.cmpi slt, %rem3A_21, %lt3A : i32
    %lt3A_25 = arith.constant 0 : i32
    %lt3A_26 = arith.cmpi slt, %select_n3A_20, %lt3A_25 : i32
    %ne3A_27 = arith.xori %lt3A_24, %lt3A_26 : i1
    %and3A_28 = arith.andi %ne3A_27, %ne3A_23 : i1
    %add3A_29 = arith.addi %rem3A_21, %select_n3A_20 : i32
    %select_n3A_30 = arith.select %and3A_28, %add3A_29, %rem3A_21 : i32
    %mul3A_31 = arith.constant 512 : i32
    %mul3A_32 = arith.muli %select_n3A_30, %mul3A_31 : i32
    %mul3A_33 = arith.constant 512 : i32
    %mul3A_34 = arith.muli %add3A, %mul3A_33 : i32
    tpu.enqueue_dma source(%arg2 : memref<100000xf32, #tpu.memory_space<hbm>>) target(%arg5 : memref<100000xf32, #tpu.memory_space<vmem>>) target_semaphore(%arg8 : memref<!tpu.dma_semaphore, #tpu.memory_space<semaphore_mem>>)
    %dma_start3A = arith.constant 0 : i32
    %dma_start3A_35 = tpu.memref_slice %arg3[%select_n3A, %dma_start3A, %mul3A_32] : memref<8x26x2048xi32, #tpu.memory_space<hbm>> -> memref<1x26x512xi32, #tpu.memory_space<hbm>>
    %dma_start3A_36 = tpu.memref_squeeze %dma_start3A_35 : memref<1x26x512xi32, #tpu.memory_space<hbm>> -> memref<26x512xi32, #tpu.memory_space<hbm>>
    %dma_start3A_37 = arith.constant 0 : i32
    %dma_start3A_38 = tpu.memref_slice %arg3[%select_n3A, %dma_start3A_37, %mul3A_32] : memref<8x26x2048xi32, #tpu.memory_space<hbm>> -> memref<1x26x512xi32, #tpu.memory_space<hbm>>
    %dma_start3A_39 = tpu.memref_squeeze %dma_start3A_38 : memref<1x26x512xi32, #tpu.memory_space<hbm>> -> memref<26x512xi32, #tpu.memory_space<hbm>>
    tpu.enqueue_dma source(%dma_start3A_39 : memref<26x512xi32, #tpu.memory_space<hbm>>) target(%arg6 : memref<26x512xi32, #tpu.memory_space<vmem>>) target_semaphore(%arg9 : memref<!tpu.dma_semaphore, #tpu.memory_space<semaphore_mem>>)
    tpu.wait_dma2 semaphore(%arg8 : memref<!tpu.dma_semaphore, #tpu.memory_space<semaphore_mem>>) src(%arg2 : memref<100000xf32, #tpu.memory_space<hbm>>) dst(%arg5 : memref<100000xf32, #tpu.memory_space<vmem>>)
    %dma_wait3A = arith.constant 0 : i32
    %dma_wait3A_40 = tpu.memref_slice %arg3[%select_n3A, %dma_wait3A, %mul3A_32] : memref<8x26x2048xi32, #tpu.memory_space<hbm>> -> memref<1x26x512xi32, #tpu.memory_space<hbm>>
    %dma_wait3A_41 = tpu.memref_squeeze %dma_wait3A_40 : memref<1x26x512xi32, #tpu.memory_space<hbm>> -> memref<26x512xi32, #tpu.memory_space<hbm>>
    %dma_wait3A_42 = arith.constant 0 : i32
    %dma_wait3A_43 = tpu.memref_slice %arg3[%select_n3A, %dma_wait3A_42, %mul3A_32] : memref<8x26x2048xi32, #tpu.memory_space<hbm>> -> memref<1x26x512xi32, #tpu.memory_space<hbm>>
    %dma_wait3A_44 = tpu.memref_squeeze %dma_wait3A_43 : memref<1x26x512xi32, #tpu.memory_space<hbm>> -> memref<26x512xi32, #tpu.memory_space<hbm>>
    tpu.wait_dma2 semaphore(%arg9 : memref<!tpu.dma_semaphore, #tpu.memory_space<semaphore_mem>>) src(%dma_wait3A_44 : memref<26x512xi32, #tpu.memory_space<hbm>>) dst(%arg6 : memref<26x512xi32, #tpu.memory_space<vmem>>)
    %parallel_loop3A = arith.constant 0 : i32
    %parallel_loop3A_45 = arith.constant 416 : i32
    %parallel_loop3A_46 = arith.constant 1 : i32
    scf.for %parallel_loop3A_70 = %parallel_loop3A to %parallel_loop3A_45 step %parallel_loop3A_46  : i32 {
      %parallel_loop3A_71 = arith.constant 32 : i32
      %parallel_loop3A_72 = arith.divsi %parallel_loop3A_70, %parallel_loop3A_71 : i32
      %parallel_loop3A_73 = arith.constant 0 : i32
      %parallel_loop3A_74 = arith.cmpi sgt, %parallel_loop3A_70, %parallel_loop3A_73 : i32
      %parallel_loop3A_75 = arith.extui %parallel_loop3A_74 : i1 to i32
      %parallel_loop3A_76 = arith.constant 0 : i32
      %parallel_loop3A_77 = arith.cmpi slt, %parallel_loop3A_70, %parallel_loop3A_76 : i32
      %parallel_loop3A_78 = arith.extui %parallel_loop3A_77 : i1 to i32
      %parallel_loop3A_79 = arith.subi %parallel_loop3A_75, %parallel_loop3A_78 : i32
      %parallel_loop3A_80 = arith.constant 0 : i32
      %parallel_loop3A_81 = arith.cmpi sgt, %parallel_loop3A_71, %parallel_loop3A_80 : i32
      %parallel_loop3A_82 = arith.extui %parallel_loop3A_81 : i1 to i32
      %parallel_loop3A_83 = arith.constant 0 : i32
      %parallel_loop3A_84 = arith.cmpi slt, %parallel_loop3A_71, %parallel_loop3A_83 : i32
      %parallel_loop3A_85 = arith.extui %parallel_loop3A_84 : i1 to i32
      %parallel_loop3A_86 = arith.subi %parallel_loop3A_82, %parallel_loop3A_85 : i32
      %parallel_loop3A_87 = arith.cmpi ne, %parallel_loop3A_79, %parallel_loop3A_86 : i32
      %parallel_loop3A_88 = arith.remsi %parallel_loop3A_70, %parallel_loop3A_71 : i32
      %parallel_loop3A_89 = arith.constant 0 : i32
      %parallel_loop3A_90 = arith.cmpi ne, %parallel_loop3A_88, %parallel_loop3A_89 : i32
      %parallel_loop3A_91 = arith.andi %parallel_loop3A_87, %parallel_loop3A_90 : i1
      %parallel_loop3A_92 = arith.constant 1 : i32
      %parallel_loop3A_93 = arith.subi %parallel_loop3A_72, %parallel_loop3A_92 : i32
      %parallel_loop3A_94 = arith.select %parallel_loop3A_91, %parallel_loop3A_93, %parallel_loop3A_72 : i32
      %parallel_loop3A_95 = arith.constant 0 : i32
      %parallel_loop3A_96 = arith.addi %parallel_loop3A_95, %parallel_loop3A_94 : i32
      %parallel_loop3A_97 = arith.constant 32 : i32
      %parallel_loop3A_98 = arith.constant 0 : i32
      %parallel_loop3A_99 = arith.cmpi eq, %parallel_loop3A_97, %parallel_loop3A_98 : i32
      %parallel_loop3A_100 = arith.constant 1 : i32
      %parallel_loop3A_101 = arith.select %parallel_loop3A_99, %parallel_loop3A_100, %parallel_loop3A_97 : i32
      %parallel_loop3A_102 = arith.remsi %parallel_loop3A_70, %parallel_loop3A_101 : i32
      %parallel_loop3A_103 = arith.constant 0 : i32
      %parallel_loop3A_104 = arith.cmpi ne, %parallel_loop3A_102, %parallel_loop3A_103 : i32
      %parallel_loop3A_105 = arith.constant 0 : i32
      %parallel_loop3A_106 = arith.cmpi slt, %parallel_loop3A_102, %parallel_loop3A_105 : i32
      %parallel_loop3A_107 = arith.constant 0 : i32
      %parallel_loop3A_108 = arith.cmpi slt, %parallel_loop3A_101, %parallel_loop3A_107 : i32
      %parallel_loop3A_109 = arith.xori %parallel_loop3A_106, %parallel_loop3A_108 : i1
      %parallel_loop3A_110 = arith.andi %parallel_loop3A_109, %parallel_loop3A_104 : i1
      %parallel_loop3A_111 = arith.addi %parallel_loop3A_102, %parallel_loop3A_101 : i32
      %parallel_loop3A_112 = arith.select %parallel_loop3A_110, %parallel_loop3A_111, %parallel_loop3A_102 : i32
      %parallel_loop3A_113 = arith.constant 16 : i32
      %parallel_loop3A_114 = arith.muli %parallel_loop3A_112, %parallel_loop3A_113 : i32
      %parallel_loop3A_115 = arith.index_cast %parallel_loop3A_96 : i32 to index
      %parallel_loop3A_116 = arith.index_cast %parallel_loop3A_114 : i32 to index
      %parallel_loop3A_117 = tpu.vector_load %arg6[%parallel_loop3A_115, %parallel_loop3A_116] {strides = array<i32>} : memref<26x512xi32, #tpu.memory_space<vmem>>, vector<16xi32>,
      %parallel_loop3A_118 = tpu.vector_load_idx %arg5[%parallel_loop3A_117] : memref<100000xf32, #tpu.memory_space<vmem>>[vector<16xi32>], vector<16xf32>,
      %parallel_loop3A_119 = arith.index_cast %parallel_loop3A_96 : i32 to index
      %parallel_loop3A_120 = arith.index_cast %parallel_loop3A_114 : i32 to index
      %parallel_loop3A_121 = tpu.vector_load %arg7[%parallel_loop3A_119, %parallel_loop3A_120] {strides = array<i32>} : memref<26x512xf32, #tpu.memory_space<vmem>>, vector<16xf32>,
      tpu.vector_store %arg7[%parallel_loop3A_119, %parallel_loop3A_120], %parallel_loop3A_118 {strides = array<i32>} : memref<26x512xf32, #tpu.memory_space<vmem>>, vector<16xf32>,
    } {sc.loop_unroll_factor = 8 : i64, sc.parallel_access}
    %dma_start3A_47 = arith.constant 0 : i32
    %dma_start3A_48 = arith.constant 0 : i32
    %dma_start3A_49 = tpu.memref_slice %arg7[%dma_start3A_47, %dma_start3A_48] : memref<26x512xf32, #tpu.memory_space<vmem>> -> memref<13x512xf32, #tpu.memory_space<vmem>>
    %dma_start3A_50 = arith.constant 0 : i32
    %dma_start3A_51 = tpu.memref_slice %arg4[%dma_start3A_50, %mul3A_34] : memref<26x16384xf32, #tpu.memory_space<hbm>> -> memref<13x512xf32, #tpu.memory_space<hbm>>
    %dma_start3A_52 = arith.constant 0 : i32
    %dma_start3A_53 = tpu.memref_slice %arg4[%dma_start3A_52, %mul3A_34] : memref<26x16384xf32, #tpu.memory_space<hbm>> -> memref<13x512xf32, #tpu.memory_space<hbm>>
    %dma_start3A_54 = arith.constant 0 : i32
    %dma_start3A_55 = arith.constant 0 : i32
    %dma_start3A_56 = tpu.memref_slice %arg7[%dma_start3A_54, %dma_start3A_55] : memref<26x512xf32, #tpu.memory_space<vmem>> -> memref<13x512xf32, #tpu.memory_space<vmem>>
    tpu.enqueue_dma source(%dma_start3A_56 : memref<13x512xf32, #tpu.memory_space<vmem>>) target(%dma_start3A_53 : memref<13x512xf32, #tpu.memory_space<hbm>>) target_semaphore(%arg9 : memref<!tpu.dma_semaphore, #tpu.memory_space<semaphore_mem>>)
    %parallel_loop3A_57 = arith.constant 0 : i32
    %parallel_loop3A_58 = arith.constant 416 : i32
    %parallel_loop3A_59 = arith.constant 1 : i32
    scf.for %parallel_loop3A_70 = %parallel_loop3A_57 to %parallel_loop3A_58 step %parallel_loop3A_59  : i32 {
      %parallel_loop3A_71 = arith.constant 32 : i32
      %parallel_loop3A_72 = arith.divsi %parallel_loop3A_70, %parallel_loop3A_71 : i32
      %parallel_loop3A_73 = arith.constant 0 : i32
      %parallel_loop3A_74 = arith.cmpi sgt, %parallel_loop3A_70, %parallel_loop3A_73 : i32
      %parallel_loop3A_75 = arith.extui %parallel_loop3A_74 : i1 to i32
      %parallel_loop3A_76 = arith.constant 0 : i32
      %parallel_loop3A_77 = arith.cmpi slt, %parallel_loop3A_70, %parallel_loop3A_76 : i32
      %parallel_loop3A_78 = arith.extui %parallel_loop3A_77 : i1 to i32
      %parallel_loop3A_79 = arith.subi %parallel_loop3A_75, %parallel_loop3A_78 : i32
      %parallel_loop3A_80 = arith.constant 0 : i32
      %parallel_loop3A_81 = arith.cmpi sgt, %parallel_loop3A_71, %parallel_loop3A_80 : i32
      %parallel_loop3A_82 = arith.extui %parallel_loop3A_81 : i1 to i32
      %parallel_loop3A_83 = arith.constant 0 : i32
      %parallel_loop3A_84 = arith.cmpi slt, %parallel_loop3A_71, %parallel_loop3A_83 : i32
      %parallel_loop3A_85 = arith.extui %parallel_loop3A_84 : i1 to i32
      %parallel_loop3A_86 = arith.subi %parallel_loop3A_82, %parallel_loop3A_85 : i32
      %parallel_loop3A_87 = arith.cmpi ne, %parallel_loop3A_79, %parallel_loop3A_86 : i32
      %parallel_loop3A_88 = arith.remsi %parallel_loop3A_70, %parallel_loop3A_71 : i32
      %parallel_loop3A_89 = arith.constant 0 : i32
      %parallel_loop3A_90 = arith.cmpi ne, %parallel_loop3A_88, %parallel_loop3A_89 : i32
      %parallel_loop3A_91 = arith.andi %parallel_loop3A_87, %parallel_loop3A_90 : i1
      %parallel_loop3A_92 = arith.constant 1 : i32
      %parallel_loop3A_93 = arith.subi %parallel_loop3A_72, %parallel_loop3A_92 : i32
      %parallel_loop3A_94 = arith.select %parallel_loop3A_91, %parallel_loop3A_93, %parallel_loop3A_72 : i32
      %parallel_loop3A_95 = arith.constant 13 : i32
      %parallel_loop3A_96 = arith.addi %parallel_loop3A_95, %parallel_loop3A_94 : i32
      %parallel_loop3A_97 = arith.constant 32 : i32
      %parallel_loop3A_98 = arith.constant 0 : i32
      %parallel_loop3A_99 = arith.cmpi eq, %parallel_loop3A_97, %parallel_loop3A_98 : i32
      %parallel_loop3A_100 = arith.constant 1 : i32
      %parallel_loop3A_101 = arith.select %parallel_loop3A_99, %parallel_loop3A_100, %parallel_loop3A_97 : i32
      %parallel_loop3A_102 = arith.remsi %parallel_loop3A_70, %parallel_loop3A_101 : i32
      %parallel_loop3A_103 = arith.constant 0 : i32
      %parallel_loop3A_104 = arith.cmpi ne, %parallel_loop3A_102, %parallel_loop3A_103 : i32
      %parallel_loop3A_105 = arith.constant 0 : i32
      %parallel_loop3A_106 = arith.cmpi slt, %parallel_loop3A_102, %parallel_loop3A_105 : i32
      %parallel_loop3A_107 = arith.constant 0 : i32
      %parallel_loop3A_108 = arith.cmpi slt, %parallel_loop3A_101, %parallel_loop3A_107 : i32
      %parallel_loop3A_109 = arith.xori %parallel_loop3A_106, %parallel_loop3A_108 : i1
      %parallel_loop3A_110 = arith.andi %parallel_loop3A_109, %parallel_loop3A_104 : i1
      %parallel_loop3A_111 = arith.addi %parallel_loop3A_102, %parallel_loop3A_101 : i32
      %parallel_loop3A_112 = arith.select %parallel_loop3A_110, %parallel_loop3A_111, %parallel_loop3A_102 : i32
      %parallel_loop3A_113 = arith.constant 16 : i32
      %parallel_loop3A_114 = arith.muli %parallel_loop3A_112, %parallel_loop3A_113 : i32
      %parallel_loop3A_115 = arith.index_cast %parallel_loop3A_96 : i32 to index
      %parallel_loop3A_116 = arith.index_cast %parallel_loop3A_114 : i32 to index
      %parallel_loop3A_117 = tpu.vector_load %arg6[%parallel_loop3A_115, %parallel_loop3A_116] {strides = array<i32>} : memref<26x512xi32, #tpu.memory_space<vmem>>, vector<16xi32>,
      %parallel_loop3A_118 = tpu.vector_load_idx %arg5[%parallel_loop3A_117] : memref<100000xf32, #tpu.memory_space<vmem>>[vector<16xi32>], vector<16xf32>,
      %parallel_loop3A_119 = arith.index_cast %parallel_loop3A_96 : i32 to index
      %parallel_loop3A_120 = arith.index_cast %parallel_loop3A_114 : i32 to index
      %parallel_loop3A_121 = tpu.vector_load %arg7[%parallel_loop3A_119, %parallel_loop3A_120] {strides = array<i32>} : memref<26x512xf32, #tpu.memory_space<vmem>>, vector<16xf32>,
      tpu.vector_store %arg7[%parallel_loop3A_119, %parallel_loop3A_120], %parallel_loop3A_118 {strides = array<i32>} : memref<26x512xf32, #tpu.memory_space<vmem>>, vector<16xf32>,
    } {sc.loop_unroll_factor = 8 : i64, sc.parallel_access}
    "tpu.region"() ({
      %run_scoped3A = tpu.sem_alloc : memref<!tpu.dma_semaphore, #tpu.memory_space<semaphore_mem>>
      %dma_start3A_70 = arith.constant 13 : i32
      %dma_start3A_71 = arith.constant 0 : i32
      %dma_start3A_72 = tpu.memref_slice %arg7[%dma_start3A_70, %dma_start3A_71] : memref<26x512xf32, #tpu.memory_space<vmem>> -> memref<13x512xf32, #tpu.memory_space<vmem>>
      %dma_start3A_73 = arith.constant 13 : i32
      %dma_start3A_74 = tpu.memref_slice %arg4[%dma_start3A_73, %mul3A_34] : memref<26x16384xf32, #tpu.memory_space<hbm>> -> memref<13x512xf32, #tpu.memory_space<hbm>>
      %dma_start3A_75 = arith.constant 13 : i32
      %dma_start3A_76 = tpu.memref_slice %arg4[%dma_start3A_75, %mul3A_34] : memref<26x16384xf32, #tpu.memory_space<hbm>> -> memref<13x512xf32, #tpu.memory_space<hbm>>
      %dma_start3A_77 = arith.constant 13 : i32
      %dma_start3A_78 = arith.constant 0 : i32
      %dma_start3A_79 = tpu.memref_slice %arg7[%dma_start3A_77, %dma_start3A_78] : memref<26x512xf32, #tpu.memory_space<vmem>> -> memref<13x512xf32, #tpu.memory_space<vmem>>
      tpu.enqueue_dma source(%dma_start3A_79 : memref<13x512xf32, #tpu.memory_space<vmem>>) target(%dma_start3A_76 : memref<13x512xf32, #tpu.memory_space<hbm>>) target_semaphore(%run_scoped3A : memref<!tpu.dma_semaphore, #tpu.memory_space<semaphore_mem>>)
      %dma_wait3A_80 = arith.constant 13 : i32
      %dma_wait3A_81 = arith.constant 0 : i32
      %dma_wait3A_82 = tpu.memref_slice %arg7[%dma_wait3A_80, %dma_wait3A_81] : memref<26x512xf32, #tpu.memory_space<vmem>> -> memref<13x512xf32, #tpu.memory_space<vmem>>
      %dma_wait3A_83 = arith.constant 13 : i32
      %dma_wait3A_84 = tpu.memref_slice %arg4[%dma_wait3A_83, %mul3A_34] : memref<26x16384xf32, #tpu.memory_space<hbm>> -> memref<13x512xf32, #tpu.memory_space<hbm>>
      %dma_wait3A_85 = arith.constant 13 : i32
      %dma_wait3A_86 = tpu.memref_slice %arg4[%dma_wait3A_85, %mul3A_34] : memref<26x16384xf32, #tpu.memory_space<hbm>> -> memref<13x512xf32, #tpu.memory_space<hbm>>
      %dma_wait3A_87 = arith.constant 13 : i32
      %dma_wait3A_88 = arith.constant 0 : i32
      %dma_wait3A_89 = tpu.memref_slice %arg7[%dma_wait3A_87, %dma_wait3A_88] : memref<26x512xf32, #tpu.memory_space<vmem>> -> memref<13x512xf32, #tpu.memory_space<vmem>>
      tpu.wait_dma2 semaphore(%run_scoped3A : memref<!tpu.dma_semaphore, #tpu.memory_space<semaphore_mem>>) src(%dma_wait3A_89 : memref<13x512xf32, #tpu.memory_space<vmem>>) dst(%dma_wait3A_86 : memref<13x512xf32, #tpu.memory_space<hbm>>)
      tpu.yield
    }) : () -> ()
    %dma_wait3A_60 = arith.constant 0 : i32
    %dma_wait3A_61 = arith.constant 0 : i32
    %dma_wait3A_62 = tpu.memref_slice %arg7[%dma_wait3A_60, %dma_wait3A_61] : memref<26x512xf32, #tpu.memory_space<vmem>> -> memref<13x512xf32, #tpu.memory_space<vmem>>
    %dma_wait3A_63 = arith.constant 0 : i32
    %dma_wait3A_64 = tpu.memref_slice %arg4[%dma_wait3A_63, %mul3A_34] : memref<26x16384xf32, #tpu.memory_space<hbm>> -> memref<13x512xf32, #tpu.memory_space<hbm>>
    %dma_wait3A_65 = arith.constant 0 : i32
    %dma_wait3A_66 = tpu.memref_slice %arg4[%dma_wait3A_65, %mul3A_34] : memref<26x16384xf32, #tpu.memory_space<hbm>> -> memref<13x512xf32, #tpu.memory_space<hbm>>
    %dma_wait3A_67 = arith.constant 0 : i32
    %dma_wait3A_68 = arith.constant 0 : i32
    %dma_wait3A_69 = tpu.memref_slice %arg7[%dma_wait3A_67, %dma_wait3A_68] : memref<26x512xf32, #tpu.memory_space<vmem>> -> memref<13x512xf32, #tpu.memory_space<vmem>>
    tpu.wait_dma2 semaphore(%arg9 : memref<!tpu.dma_semaphore, #tpu.memory_space<semaphore_mem>>) src(%dma_wait3A_69 : memref<13x512xf32, #tpu.memory_space<vmem>>) dst(%dma_wait3A_66 : memref<13x512xf32, #tpu.memory_space<hbm>>)
    return
  }
}

module attributes {stable_mosaic.version = 14 : i64} {
  func.func @_project_body(%arg0: i32, %arg1: memref<12800x128xf32, #tpu.memory_space<vmem>>, %arg2: memref<1x128xf32, #tpu.memory_space<vmem>>, %arg3: memref<1x1xf32, #tpu.memory_space<vmem>>, %arg4: memref<26x2048xi32, #tpu.memory_space<vmem>>, %arg5: memref<100000xf32, #tpu.memory_space<vmem>>, %arg6: memref<53248xi32, #tpu.memory_space<vmem>>) attributes {dimension_semantics = [#tpu.dimension_semantics<arbitrary>], iteration_bounds = array<i64: 8>, scalar_prefetch = 0 : i64, scratch_operands = 0 : i64, tpu.core_type = #tpu.core_type<tc>, window_params = [{transform_indices = @transform_0, window_bounds = array<i64: 12800, 128>}, {pipeline_mode = #tpu.pipeline_mode<synchronous>, transform_indices = @transform_1, window_bounds = array<i64: 1, 128>}, {pipeline_mode = #tpu.pipeline_mode<synchronous>, transform_indices = @transform_2, window_bounds = array<i64: 1, 1>}, {transform_indices = @transform_3, window_bounds = array<i64: 26, 2048>}, {pipeline_mode = #tpu.pipeline_mode<synchronous>, transform_indices = @transform_4, window_bounds = array<i64: 100000>}, {transform_indices = @transform_5, window_bounds = array<i64: 53248>}]} {
    %get3A = arith.constant 0 : index
    %get3A_0 = arith.constant 0 : index
    %get3A_1 = vector.load %arg1[%get3A, %get3A_0] : memref<12800x128xf32, #tpu.memory_space<vmem>>, vector<12800x128xf32>
    %get3A_2 = arith.constant 0 : index
    %get3A_3 = arith.constant 0 : index
    %get3A_4 = vector.load %arg2[%get3A_2, %get3A_3] : memref<1x128xf32, #tpu.memory_space<vmem>>, vector<1x128xf32>
    %dot_general3A = arith.constant dense<0.000000e+00> : vector<1x12800xf32>
    %dot_general3A_5 = tpu.matmul %get3A_4, %get3A_1, %dot_general3A {dimension_numbers = #tpu.dot_dimension_numbers<[1], [1], [0], [0], [0, 0, 1, 0], [], []>, transpose_lhs_hint = false} : vector<1x128xf32>, vector<12800x128xf32>, vector<1x12800xf32> -> vector<1x12800xf32>
    %get3A_6 = arith.constant 0 : index
    %get3A_7 = arith.constant 0 : index
    %get3A_8 = vector.load %arg3[%get3A_6, %get3A_7] : memref<1x1xf32, #tpu.memory_space<vmem>>, vector<1x1xf32>
    %get3A_9 = vector.extract %get3A_8[0, 0] : f32 from vector<1x1xf32>
    %add3A = vector.broadcast %get3A_9 : f32 to vector<1x12800xf32>
    %add3A_10 = arith.addf %dot_general3A_5, %add3A : vector<1x12800xf32>
    %reshape3A = vector.shape_cast %add3A_10 : vector<1x12800xf32> to vector<12800xf32>
    %lt3A = arith.constant 7 : i32
    %lt3A_11 = arith.cmpi slt, %arg0, %lt3A : i32
    %convert_element_type3A = arith.extui %lt3A_11 : i1 to i32
    %cond3A = arith.constant 0 : i32
    %cond3A_12 = arith.cmpi ne, %convert_element_type3A, %cond3A : i32
    scf.if %cond3A_12 {
      %mul3A = arith.constant 12800 : i32
      %mul3A_22 = arith.muli %arg0, %mul3A : i32
      %swap3A_23 = arith.index_cast %mul3A_22 : i32 to index
      %swap3A_24 = vector.load %arg5[%swap3A_23] : memref<100000xf32, #tpu.memory_space<vmem>>, vector<12800xf32>
      tpu.vector_store %arg5[%swap3A_23], %reshape3A {strides = array<i32>} : memref<100000xf32, #tpu.memory_space<vmem>>, vector<12800xf32>,
    } else {
    }
    %eq3A = arith.constant 7 : i32
    %eq3A_13 = arith.cmpi eq, %arg0, %eq3A : i32
    %convert_element_type3A_14 = arith.extui %eq3A_13 : i1 to i32
    %cond3A_15 = arith.constant 0 : i32
    %cond3A_16 = arith.cmpi ne, %convert_element_type3A_14, %cond3A_15 : i32
    scf.if %cond3A_16 {
      %slice3A = vector.extract_strided_slice %reshape3A {offsets = [0], sizes = [10400], strides = [1]} : vector<12800xf32> to vector<10400xf32>
      %swap3A_22 = arith.constant 89600 : index
      %swap3A_23 = vector.load %arg5[%swap3A_22] : memref<100000xf32, #tpu.memory_space<vmem>>, vector<10400xf32>
      tpu.vector_store %arg5[%swap3A_22], %slice3A {strides = array<i32>} : memref<100000xf32, #tpu.memory_space<vmem>>, vector<10400xf32>,
    } else {
    }
    %get3A_17 = arith.constant 0 : index
    %get3A_18 = arith.constant 0 : index
    %get3A_19 = vector.load %arg4[%get3A_17, %get3A_18] : memref<26x2048xi32, #tpu.memory_space<vmem>>, vector<26x2048xi32>
    %reshape3A_20 = vector.shape_cast %get3A_19 : vector<26x2048xi32> to vector<53248xi32>
    %swap3A = arith.constant 0 : index
    %swap3A_21 = vector.load %arg6[%swap3A] : memref<53248xi32, #tpu.memory_space<vmem>>, vector<53248xi32>
    tpu.vector_store %arg6[%swap3A], %reshape3A_20 {strides = array<i32>} : memref<53248xi32, #tpu.memory_space<vmem>>, vector<53248xi32>,
    return
  }
  func.func @transform_0(%arg0: i32) -> (i32, i32) {
    %c0_i32 = arith.constant 0 : i32
    %c0_i32_0 = arith.constant 0 : i32
    return %arg0, %c0_i32 : i32, i32
  }
  func.func @transform_1(%arg0: i32) -> (i32, i32) {
    %c0_i32 = arith.constant 0 : i32
    %c0_i32_0 = arith.constant 0 : i32
    %c0_i32_1 = arith.constant 0 : i32
    return %c0_i32, %c0_i32_0 : i32, i32
  }
  func.func @transform_2(%arg0: i32) -> (i32, i32) {
    %c0_i32 = arith.constant 0 : i32
    %c0_i32_0 = arith.constant 0 : i32
    %c0_i32_1 = arith.constant 0 : i32
    return %c0_i32, %c0_i32_0 : i32, i32
  }
  func.func @transform_3(%arg0: i32) -> (i32, i32) {
    %c0_i32 = arith.constant 0 : i32
    %c0_i32_0 = arith.constant 0 : i32
    return %c0_i32, %arg0 : i32, i32
  }
  func.func @transform_4(%arg0: i32) -> i32 {
    %c0_i32 = arith.constant 0 : i32
    %c0_i32_0 = arith.constant 0 : i32
    return %c0_i32 : i32
  }
  func.func @transform_5(%arg0: i32) -> i32 {
    %c0_i32 = arith.constant 0 : i32
    return %arg0 : i32
  }
}

</mosaic_0001>

<sc_bundles>
// kernel: kernel.4.cloned.1.call-start
scs
__scs_entry_jumppad:
0x0: {  	(pc) =	sbr.rel $0x88, $3  }
0x1: {  	(tag) =	ssettag $0x0;
	lr =	simm.s32 $0x1  }
0x2: {  	[smem:$0x3F9D] =	sst lr;
	_ =	strace $0xD0000000  }
0x3: {  	_ = 	snop  }
0x4: {  	_ = 	snop  }
0x5: {  	_ = 	snop  }
0x6: {  	_ = 	snop  }
0x7: {  	_ = 	snop  }
__scs_overlays_trampoline_lowered:
0x8: {  	[smem:$0x3FAC] =	sst s0  }
0x9: {  	[smem:$0x3FAD] =	sst s1  }
0xa: {  	[smem:$0x3FAE] =	sst s2  }
0xb: {  	[smem:$0x3FAF] =	sst s3  }
0xc: {  	[smem:$0x3FB0] =	sst s4  }
0xd: {  	[smem:$0x3FB1] =	sst s5  }
0xe: {  	[smem:$0x3FB2] =	sst s6  }
0xf: {  	[smem:$0x3FB3] =	sst s7  }
0x10: {  	[smem:$0x3FB4] =	sst s8  }
0x11: {  	[smem:$0x3FB5] =	sst s9;
	s0 =	simm.s32 @!p0 $0x0  }
0x12: {  	s1 =	sld [smem:$0x3F9B];
	s0 =	simm.s32 @p0 $0x1  }
0x13: {  	[smem:$0x3FB6] =	sst s0;
	s0 =	simm.s32 @!p1 $0x0  }
0x14: {  	s2 =	sld [smem:$0x3F9A];
	s0 =	simm.s32 @p1 $0x1  }
0x15: {  	[smem:$0x3FB7] =	sst s0;
	s0 =	simm.s32 @!p2 $0x0  }
0x16: {  	s3 =	sld [smem:$0x3FDB];
	s0 =	simm.s32 @p2 $0x1  }
0x17: {  	s4 =	simm.s32 $0x1BF5;
	[smem:$0x3FB9] =	sst s0  }
0x18: {  	s0 =	sld [smem:$0x3F9C];
	_ =	swait.ge [sflag:s4], $0x0  }
0x19: {  	s7 =	sld [smem:$0x3F9D]  }
0x1a: {  	s8 =	sadd.s32 $0xFFFFE003, lr  }
0x1b: {  	s9 =	sadd.s32 $0xFFFFFEF7, lr;
	s5 =	simm.s32 $0xFFFFFFFF;
	p2 =	slt.u32 s8, $0xFFFFF086  }
0x1c: {  	p1 =	slt.u32 s9, $0xF7A;
	s5 =	simm.s32 @!p2 $0x0  }
0x1d: {  	s5 =	simm.s32 @p1 $0x1;
	p0 =	seq.s32 s7, s2  }
0x1e: {  	s7 =	smul.u32 @!p0 $0xF7A, s2;
	p2 =	seq.s32 @!p0 s5, $0x0  }
0x1f: {  	s9 =	smul.u32 $0xF7A, s1;
	s8 =	simm.s32 @!p0 $0x1BF5;
	p2 =	por !p2, p0  }
0x20: {  	[sflag:s8] =	ssyncset.s32 @!p0 $0xFFFFF086;
	s6 =	sadd.s32 @!p0 s3, s7;
	s7 =	simm.s32 @!p0 $0x108  }
0x21: {  	s3 =	sadd.s32 s3, s9;
	s6 =	sadd.s32 @!p0 $0x88, s6;
	s7 =	simm.s32 @p2 $0x1082  }
0x22: {  	[simem:s7], [sflag:s8] =	dma.local @!p0 [hbm:s6], $0xF7A  }
0x23: {  	s9 =	sor.u32 $0xD0000000, s2;
	s6 =	simm.s32 $0x108;
	_ =	swait.ge @!p0 [sflag:s8], $0x0  }
0x24: {  	s3 =	sadd.s32 $0x88, s3;
	s6 =	simm.s32 @!p1 $0x1082;
	[sflag:s4] =	ssyncset.s32 $0xFFFFF086  }
0x25: {  	[simem:s6], [sflag:s4] =	dma.local [hbm:s3], $0xF7A  }
0x26: {  	[smem:$0x3F9D] =	sst s1;
	(tag) =	ssettag s2;
	_ =	strace s9  }
0x27: {  	s1 =	sld [smem:$0x3FAD]  }
0x28: {  	s2 =	sld [smem:$0x3FAE]  }
0x29: {  	s4 =	sld [smem:$0x3FB0]  }
0x2a: {  	p0 =	seq.s32 s5, $0x0;
	s5 =	sld [smem:$0x3FB1]  }
0x2b: {  	s6 =	sld [smem:$0x3FB2]  }
0x2c: {  	s7 =	sld [smem:$0x3FB3]  }
0x2d: {  	s3 =	simm.s32 $0x108;
	s8 =	sld [smem:$0x3FB4]  }
0x2e: {  	s3 =	simm.s32 @!p0 $0x1082;
	s9 =	sld [smem:$0x3FB5]  }
0x2f: {  	lr =	sadd.s32 s0, s3;
	s0 =	sld [smem:$0x3FAC]  }
0x30: {  	s3 =	sld [smem:$0x3FAF]  }
0x31: {  	[smem:$0x3FB8] =	sst s10  }
0x32: {  	s10 =	sld [smem:$0x3FB6];
	_ =	sdelay $0x3  }
0x33: {  	p0 =	seq.s32 s10, $0x1;
	s10 =	sld [smem:$0x3FB8];
	_ =	sdelay $0x3  }
0x34: {  	[smem:$0x3FB8] =	sst s10  }
0x35: {  	s10 =	sld [smem:$0x3FB7];
	_ =	sdelay $0x3  }
0x36: {  	p1 =	seq.s32 s10, $0x1;
	s10 =	sld [smem:$0x3FB8];
	_ =	sdelay $0x3  }
0x37: {  	[smem:$0x3FB8] =	sst s10  }
0x38: {  	s10 =	sld [smem:$0x3FB9]  }
0x39: {  	_ = 	snop;
	(pc) =	sbr.ind lr, $3  }
0x3a: {  	_ = 	snop  }
0x3b: {  	_ = 	snop  }
0x3c: {  	p2 =	seq.s32 s10, $0x1;
	s10 =	sld [smem:$0x3FB8]  }
0x3d: {  	_ =	shalt  }
0x3e: {  	_ =	shalt  }
0x3f: {  	_ =	shalt  }
0x40: {  	_ =	shalt  }
0x41: {  	_ =	shalt  }
0x42: {  	_ =	shalt  }
0x43: {  	_ =	shalt  }
0x44: {  	_ =	shalt  }
0x45: {  	_ =	shalt  }
0x46: {  	_ =	shalt  }
0x47: {  	_ =	shalt  }
0x48: {  	_ =	shalt  }
0x49: {  	_ =	shalt  }
0x4a: {  	_ =	shalt  }
0x4b: {  	_ =	shalt  }
0x4c: {  	_ =	shalt  }
0x4d: {  	_ =	shalt  }
0x4e: {  	_ =	shalt  }
0x4f: {  	_ =	shalt  }
0x50: {  	_ =	shalt  }
0x51: {  	_ =	shalt  }
0x52: {  	_ =	shalt  }
0x53: {  	_ =	shalt  }
0x54: {  	_ =	shalt  }
0x55: {  	_ =	shalt  }
0x56: {  	_ =	shalt  }
0x57: {  	_ =	shalt  }
0x58: {  	_ =	shalt  }
0x59: {  	_ =	shalt  }
0x5a: {  	_ =	shalt  }
0x5b: {  	_ =	shalt  }
0x5c: {  	_ =	shalt  }
0x5d: {  	_ =	shalt  }
0x5e: {  	_ =	shalt  }
0x5f: {  	_ =	shalt  }
0x60: {  	_ =	shalt  }
0x61: {  	_ =	shalt  }
0x62: {  	_ =	shalt  }
0x63: {  	_ =	shalt  }
0x64: {  	_ =	shalt  }
0x65: {  	_ =	shalt  }
0x66: {  	_ =	shalt  }
0x67: {  	_ =	shalt  }
0x68: {  	_ =	shalt  }
0x69: {  	_ =	shalt  }
0x6a: {  	_ =	shalt  }
0x6b: {  	_ =	shalt  }
0x6c: {  	_ =	shalt  }
0x6d: {  	_ =	shalt  }
0x6e: {  	_ =	shalt  }
0x6f: {  	_ =	shalt  }
0x70: {  	_ =	shalt  }
0x71: {  	_ =	shalt  }
0x72: {  	_ =	shalt  }
0x73: {  	_ =	shalt  }
0x74: {  	_ =	shalt  }
0x75: {  	_ =	shalt  }
0x76: {  	_ =	shalt  }
0x77: {  	_ =	shalt  }
0x78: {  	_ =	shalt  }
0x79: {  	_ =	shalt  }
0x7a: {  	_ =	shalt  }
0x7b: {  	_ =	shalt  }
0x7c: {  	_ =	shalt  }
0x7d: {  	_ =	shalt  }
0x7e: {  	_ =	shalt  }
0x7f: {  	_ =	shalt  }
0x80: {  	_ =	shalt  }
0x81: {  	_ =	shalt  }
0x82: {  	_ =	shalt  }
0x83: {  	_ =	shalt  }
0x84: {  	_ =	shalt  }
0x85: {  	_ =	shalt  }
0x86: {  	_ =	shalt  }
0x87: {  	_ =	shalt  }
.Lfunc_end0:
.L_simem_size_0:
called_computation_lowered:
.L_overlay_start_0:
0x88: {  	s2 =	sld [smem:$0x3FD9]  }
0x89: {  	s3 =	sld [smem:$0x3FFE];
	_ =	sdelay $0x1  }
0x8a: {  	s1 =	srdreg.scid  }
0x8b: {  	s0 =	sand.u32 $0x1, s1  }
0x8c: {  	s17 =	sshll.u32 s0, $0xA;
	s2 =	sadd.s32 s3, s2  }
0x8d: {  	s2 =	sadd.s32 s2, s17  }
0x8e: {  	[smem:$0x3FC4] =	sst s2  }
0x8f: {  	_ = 	snop  }
0x90: {  	s2 =	sld [smem:$0x3FD0];
	(tm) =	ssettm $0x1  }
0x91: {  	s18 =	sld [smem:$0x3FFB];
	_ =	sdelay $0x3  }
0x92: {  	_ =	strace s18  }
0x93: {  	s3 =	sld [smem:$0x3FFC];
	_ =	sdelay $0x3  }
0x94: {  	_ =	strace s3  }
0x95: {  	s3 =	sld [smem:$0x3FFD];
	_ =	sdelay $0x3  }
0x96: {  	_ =	strace s3  }
0x97: {  	_ =	strace $0x8FFFFFFF  }
0x98: {  	s19 =	sld [smem:$0x3FDB];
	_ =	sdelay $0x1  }
0x99: {  	s4 =	simm.s32 $_scs_section_size  }
0x9a: {  	s5 =	simm.s32 $_size__tile_overlayer_lowered;
	s6 =	simm.s32 $_tile_overlayer_lowered  }
0x9b: {  	s22 =	simm.s32 $0x1BFF;
	s21 =	sshll.u32 s6, $0x1;
	s3 =	sadd.s32 s4, s19  }
0x9c: {  	s7 =	simm.s32 $0x0;
	s20 =	sshll.u32 s5, $0x1;
	s5 =	sadd.s32 s21, s3  }
0x9d: {  	[timem:s7], [sflag:s22] =	dma.local [hbm:s5], s20  }
0x9e: {  	_ =	swait.ge [sflag:s22], s20  }
0x9f: {  	s4 =	ssub.s32 $0x0, s20;
	[sflag:s22] =	ssyncset.done $0x0  }
0xa0: {  	[sflag:s22] =	ssyncadd.s32 s4;
	_ =	sdelay $0x1  }
0xa1: {  	s23 =	simm.s32 $0x1B8B  }
0xa2: {  	_ =	swait.ge [sflag:s23], $0x1  }
0xa3: {  	[sflag:s23] =	ssyncset.done $0x0  }
0xa4: {  	s25 =	simm.s32 $0x1B8E;
	s24 =	sld [smem:$0x3FFE];
	[sflag:s23] =	ssyncadd.s32 $0xFFFFFFFF  }
0xa5: {  	s26 =	simm.s32 $execute0_lowered;
	[smem:$0x3FD2] =	sst s25  }
0xa6: {  	s5 =	sshll.u32 s26, $0x1;
	_ =	strace $0x80000046;
	[dreg:$0x1] =	wrdreg $0xFFFFFFFF  }
0xa7: {  	s28 =	simm.s32 $_size_execute0_lowered;
	s3 =	sadd.s32 s3, s5;
	[dreg:$0x0] =	wrdreg $0x0  }
0xa8: {  	s5 =	sshll.u32 s28, $0x1;
	[dreg:$0x2] =	wrdreg s3  }
0xa9: {  	[dreg:$0x3] =	wrdreg s5  }
0xaa: {  	[dreg:$0x4] =	wrdreg $0xC0  }
0xab: {  	_ =	task [dreg:s7], $0x5FFFF  }
0xac: {  	[dreg:$0x1] =	wrdreg $0xFFFFFFFF  }
0xad: {  	[dreg:$0x0] =	wrdreg $0x60  }
0xae: {  	[dreg:$0x2] =	wrdreg s24  }
0xaf: {  	[dreg:$0x3] =	wrdreg s2  }
0xb0: {  	[dreg:$0x4] =	wrdreg $0x9  }
0xb1: {  	_ =	task.clear_ibuf [dreg:s7], $0x5FFFF;
	_ =	strace $0x90000046  }
0xb2: {  	s29 =	simm.s32 $0x9;
	_ =	strace $0x80000048  }
0xb3: {  	_ =	swait.ge [sflag:s29], $0x1  }
0xb4: {  	[sflag:s29] =	ssyncadd.s32 $0xFFFFFFFF  }
0xb5: {  	_ =	strace $0x90000048  }
0xb6: {  	_ =	sfence  }
0xb7: {  	s30 =	sld [smem:$0x0];
	_ =	sdelay $0x2  }
0xb8: {  	s31 =	sshll.u32 s1, $0xD;
	s1 =	sshrl.u32 s1, $0x2  }
0xb9: {  	s3 =	sand.u32 $0x4000, s31;
	s1 =	sadd.s32 s1, s30  }
0xba: {  	s0 =	sor.u32 s3, s0;
	s1 =	sshll.u32 s1, $0x11  }
0xbb: {  	s0 =	sor.u32 s1, s0  }
0xbc: {  	s0 =	sadd.s32 $0x8F2B, s0  }
0xbd: {  	[sflag:s0] =	ssyncadd.remote.s32 $0x1  }
0xbe: {  	_ =	sfence.sel $0xFFFF  }
0xbf: {  	[dreg:$0x0] =	wrdreg $0xFFFFFFFF;
	(pc) =	sbr.abs _section_cstart, $3  }
0xc0: {  	[dreg:$0x1] =	wrdreg $0xFFFFFFFF  }
0xc1: {  	_ =	task.clear_ibuf [dreg:s7], $0x2FFFF;
	_ =	strace $0x9FFFFFFF  }
0xc2: {  	(tm) =	ssettm $0x7FFFFFFF  }
0xc3: {  	_ =	shalt  }
tec
execute0_lowered:
.L_overlay_start_1:
0x0: {  	(tag) =	ssettag $0x1  }
0x1: {  	s4 =	rddreg [dreg:$0x0]  }
0x2: {  	s5 =	rddreg [dreg:$0x1]  }
0x3: {  	s2 =	srdreg.scid;
	s1 =	stileid.u32  }
0x4: {  	s0 =	rddreg [dreg:$0x2];
	s10 =	simm.s32 $0x186A0;
	s11 =	simm.s32 $0x1  }
0x5: {  	s12 =	simm.s32 $0x2;
	s13 =	simm.s32 $0x4000;
	s14 =	simm.s32 $0x1BAA0  }
0x6: {  	s15 =	simm.s32 $0x1D4A0;
	s16 =	simm.s32 $0x3;
	s17 =	simm.s32 $0x0  }
0x7: {  	s6 =	sand.u32 $0x1, s2;
	s3 =	sshll.u32 s1, $0x1;
	s2 =	simm.s32 $0x0  }
0x8: {  	s29 =	sshrl.u32 s1, $0x1;
	s7 =	sor.u32 s6, s3;
	[smem:$0x7FF] =	sst s2  }
0x9: {  	s8 =	smul.u32 $0xD000, s29;
	s3 =	sadd.s32 $0xE00, s4;
	s9 =	sshll.u32 s7, $0x9  }
0xa: {  	s6 =	ssub.s32 $0x2, s6;
	_ =	strace $0x80000047;
	s9 =	sand.u32 $0x600, s9  }
0xb: {  	s7 =	sshll.u32 s7, $0x6;
	s30 =	sshrl.u32 s6, $0x1;
	s8 =	sor.u32 s8, s9  }
0xc: {  	s7 =	sadd.s32 s7, s4;
	s31 =	ssub.s32 s6, s30;
	s8 =	sshrl.u32 s8, $0x3  }
0xd: {  	s6 =	sadd.s32 $0xA800, s7;
	s9 =	simm.s32 $0x800;
	s4 =	sadd.s32 s5, s8  }
0xe: {  	s5 =	sadd.s32 $0x4000, s7;
	s7 =	smax.u32 s31, $0x1;
	s8 =	simm.s32 $0x200  }
.LBB2_1:
0xf: {  	[tilespmem:s2], [sflag:$0x1] =	stream.linear.gather [hbm4b:s3+s2], $0x186A0, $0x38;
	[tilespmem:$0x1EEA0] =	vst v63  }
0x10: {  	_ = 	snop  }
0x11: {  	[tilespmem:s10], [sflag:$0x2] =	stream.strided.gather [hbm4b:s4+s8], $0x3400, s9, s8, $0x38;
	[tilespmem:$0x1EEA0] =	vst v63  }
0x12: {  	_ =	swait.ge [sflag:s11], $0x186A0  }
0x13: {  	[sflag:s11] =	ssyncset.done $0x0  }
0x14: {  	[sflag:s11] =	ssyncadd.s32 $0xFFFE7960  }
0x15: {  	_ =	swait.ge [sflag:s12], $0x3400  }
0x16: {  	[sflag:s12] =	ssyncset.done $0x0  }
0x17: {  	s18 =	simm.s32 $0x186E0;
	[sflag:s12] =	ssyncadd.s32 $0xFFFFCC00  }
0x18: {  	v0 =	vld [tilespmem:s18+$0x30]  }
0x19: {  	v1 =	vld [tilespmem:s18+$0xFFFFFFD0]  }
0x1a: {  	v2 =	vld [tilespmem:s18+$0xFFFFFFE0]  }
0x1b: {  	v3 =	vld [tilespmem:s18+$0xFFFFFFF0]  }
0x1c: {  	v4 =	vld [tilespmem:s18+$0x0]  }
0x1d: {  	v6 =	vld [tilespmem:s18+$0x10]  }
0x1e: {  	v7 =	vld [tilespmem:s18+$0x20]  }
0x1f: {  	v8 =	vld [tilespmem:s18+$0xFFFFFFC0]  }
0x20: {  	v9 =	vld.idx.msk [tilespmem:v0+s2+$0x0], $0xffff  }
0x21: {  	v10 =	vld.idx.msk [tilespmem:v1+s2+$0x0], $0xffff  }
0x22: {  	v5 =	vld.idx.msk [tilespmem:v2+s2+$0x0], $0xffff  }
0x23: {  	v3 =	vld.idx.msk [tilespmem:v3+s2+$0x0], $0xffff  }
0x24: {  	v0 =	vld.idx.msk [tilespmem:v4+s2+$0x0], $0xffff  }
0x25: {  	s18 =	simm.s32 $0x1BAE0;
	v1 =	vld.idx.msk [tilespmem:v6+s2+$0x0], $0xffff  }
0x26: {  	v2 =	vld.idx.msk [tilespmem:v7+s2+$0x0], $0xffff;
	[tilespmem:s18+$0x30] =	vst v9  }
0x27: {  	s19 =	simm.s32 $0x0;
	s20 =	simm.s32 $0x18760;
	v4 =	vld.idx.msk [tilespmem:v8+s2+$0x0], $0xffff;
	[tilespmem:s18+$0xFFFFFFD0] =	vst v10  }
.LBB2_2:
0x28: {  	v6 =	vld [tilespmem:s20+$0x30];
	s19 =	sadd.s32 $0x8, s19;
	[tilespmem:s18+$0xFFFFFFE0] =	vst v5  }
0x29: {  	v5 =	vld [tilespmem:s20+$0xFFFFFFD0];
	p0 =	slt.u32 s19, $0x198;
	[tilespmem:s18+$0xFFFFFFF0] =	vst v3  }
0x2a: {  	v3 =	vld [tilespmem:s20+$0xFFFFFFE0];
	[tilespmem:s18+$0x0] =	vst v0  }
0x2b: {  	v0 =	vld [tilespmem:s20+$0xFFFFFFF0];
	[tilespmem:s18+$0x10] =	vst v1  }
0x2c: {  	v1 =	vld [tilespmem:s20+$0x0];
	[tilespmem:s18+$0x20] =	vst v2  }
0x2d: {  	v2 =	vld [tilespmem:s20+$0x10];
	[tilespmem:s18+$0xFFFFFFC0] =	vst v4  }
0x2e: {  	v4 =	vld [tilespmem:s20+$0x20]  }
0x2f: {  	v7 =	vld [tilespmem:s20+$0xFFFFFFC0]  }
0x30: {  	v6 =	vld.idx.msk [tilespmem:v6+s2+$0x0], $0xffff  }
0x31: {  	v8 =	vld.idx.msk [tilespmem:v5+s2+$0x0], $0xffff  }
0x32: {  	v5 =	vld.idx.msk [tilespmem:v3+s2+$0x0], $0xffff  }
.Ltmp0:
0x33: {  	v3 =	vld.idx.msk [tilespmem:v0+s2+$0x0], $0xffff;
	(pc) =	sbr.rel @p0 .LBB2_2-.Ltmp0, $4  }
0x34: {  	v0 =	vld.idx.msk [tilespmem:v1+s2+$0x0], $0xffff  }
0x35: {  	s18 =	sadd.s32 $0x80, s18;
	v1 =	vld.idx.msk [tilespmem:v2+s2+$0x0], $0xffff  }
0x36: {  	v2 =	vld.idx.msk [tilespmem:v4+s2+$0x0], $0xffff;
	[tilespmem:s18+$0x30] =	vst v6  }
0x37: {  	s20 =	sadd.s32 $0x80, s20;
	v4 =	vld.idx.msk [tilespmem:v7+s2+$0x0], $0xffff;
	[tilespmem:s18+$0xFFFFFFD0] =	vst v8  }
0x38: {  	[tilespmem:s18+$0xFFFFFFE0] =	vst v5  }
0x39: {  	[tilespmem:s18+$0xFFFFFFF0] =	vst v3  }
0x3a: {  	[tilespmem:s18+$0x0] =	vst v0  }
0x3b: {  	[tilespmem:s18+$0x10] =	vst v1  }
0x3c: {  	s31 =	simm.s32 $0x0;
	[tilespmem:s18+$0x20] =	vst v2  }
0x3d: {  	[tilespmem:s18+$0xFFFFFFC0] =	vst v4;
	s18 =	sand.u32 $0x1F80, s31  }
0x3e: {  	[hbm4b:s5+s8] =	stream.strided.scatter [tilespmem:s14], [sflag:$0x2], $0x1A00, s13, s8, $0x38;
	[tilespmem:$0x1EEA0] =	vst v63  }
0x3f: {  	v1 =	vld [tilespmem:s18+$0x1A110]  }
0x40: {  	v2 =	vld [tilespmem:s18+$0x1A0A0]  }
0x41: {  	v3 =	vld [tilespmem:s18+$0x1A0B0]  }
0x42: {  	v4 =	vld [tilespmem:s18+$0x1A0C0]  }
0x43: {  	v7 =	vld [tilespmem:s18+$0x1A0D0]  }
0x44: {  	v8 =	vld [tilespmem:s18+$0x1A0E0]  }
0x45: {  	v9 =	vld [tilespmem:s18+$0x1A0F0]  }
0x46: {  	v0 =	vld [tilespmem:s18+$0x1A100]  }
0x47: {  	v10 =	vld.idx.msk [tilespmem:v1+s2+$0x0], $0xffff  }
0x48: {  	v6 =	vld.idx.msk [tilespmem:v2+s2+$0x0], $0xffff  }
0x49: {  	v5 =	vld.idx.msk [tilespmem:v3+s2+$0x0], $0xffff  }
0x4a: {  	v4 =	vld.idx.msk [tilespmem:v4+s2+$0x0], $0xffff  }
0x4b: {  	v3 =	vld.idx.msk [tilespmem:v7+s2+$0x0], $0xffff  }
0x4c: {  	v1 =	vld.idx.msk [tilespmem:v8+s2+$0x0], $0xffff  }
0x4d: {  	s19 =	simm.s32 $0x0;
	s20 =	simm.s32 $0x80;
	v2 =	vld.idx.msk [tilespmem:v9+s2+$0x0], $0xffff;
	[tilespmem:s18+$0x1D510] =	vst v10  }
.LBB2_4:
0x4e: {  	s21 =	sand.u32 $0x1F80, s20;
	s19 =	sadd.s32 $0x8, s19;
	[tilespmem:s18+$0x1D4A0] =	vst v6;
	v0 =	vld.idx.msk [tilespmem:v0+s2+$0x0], $0xffff  }
0x4f: {  	v6 =	vld [tilespmem:s21+$0x1A110];
	p0 =	slt.u32 s19, $0x198;
	[tilespmem:s18+$0x1D4B0] =	vst v5  }
0x50: {  	v5 =	vld [tilespmem:s21+$0x1A0A0];
	[tilespmem:s18+$0x1D4C0] =	vst v4  }
0x51: {  	v4 =	vld [tilespmem:s21+$0x1A0B0];
	[tilespmem:s18+$0x1D4D0] =	vst v3  }
0x52: {  	v3 =	vld [tilespmem:s21+$0x1A0C0];
	[tilespmem:s18+$0x1D4E0] =	vst v1  }
0x53: {  	v1 =	vld [tilespmem:s21+$0x1A0D0];
	[tilespmem:s18+$0x1D4F0] =	vst v2  }
0x54: {  	v2 =	vld [tilespmem:s21+$0x1A0E0];
	[tilespmem:s18+$0x1D500] =	vst v0;
	s18 =	smov.u32 s21  }
0x55: {  	v7 =	vld [tilespmem:s18+$0x1A0F0]  }
0x56: {  	v0 =	vld [tilespmem:s18+$0x1A100]  }
0x57: {  	v8 =	vld.idx.msk [tilespmem:v6+s2+$0x0], $0xffff  }
0x58: {  	v6 =	vld.idx.msk [tilespmem:v5+s2+$0x0], $0xffff  }
.Ltmp1:
0x59: {  	v5 =	vld.idx.msk [tilespmem:v4+s2+$0x0], $0xffff;
	(pc) =	sbr.rel @p0 .LBB2_4-.Ltmp1, $4  }
0x5a: {  	v4 =	vld.idx.msk [tilespmem:v3+s2+$0x0], $0xffff  }
0x5b: {  	v3 =	vld.idx.msk [tilespmem:v1+s2+$0x0], $0xffff  }
0x5c: {  	v1 =	vld.idx.msk [tilespmem:v2+s2+$0x0], $0xffff  }
0x5d: {  	s20 =	sadd.s32 $0x80, s20;
	v2 =	vld.idx.msk [tilespmem:v7+s2+$0x0], $0xffff;
	[tilespmem:s18+$0x1D510] =	vst v8  }
0x5e: {  	_ =	sdelay $0x2  }
0x5f: {  	[tilespmem:s18+$0x1D4A0] =	vst v6  }
0x60: {  	v0 =	vld.idx.msk [tilespmem:v0+s2+$0x0], $0xffff;
	[tilespmem:s18+$0x1D4B0] =	vst v5  }
0x61: {  	[tilespmem:s18+$0x1D4C0] =	vst v4  }
0x62: {  	[tilespmem:s18+$0x1D4D0] =	vst v3  }
0x63: {  	[tilespmem:s18+$0x1D4E0] =	vst v1  }
0x64: {  	[tilespmem:s18+$0x1D4F0] =	vst v2  }
0x65: {  	s17 =	sadd.s32 $0x1, s17;
	[tilespmem:s18+$0x1D500] =	vst v0  }
0x66: {  	[hbm4b:s6+s8] =	stream.strided.scatter [tilespmem:s15], [sflag:$0x3], $0x1A00, s13, s8, $0x38;
	[tilespmem:$0x1EEA0] =	vst v63  }
0x67: {  	p0 =	sne.s32 s17, s7;
	_ =	swait.ge [sflag:s16], $0x1A00  }
.Ltmp2:
0x68: {  	[sflag:s16] =	ssyncset.done $0x0;
	(pc) =	sbr.rel @p0 .LBB2_1-.Ltmp2, $4  }
0x69: {  	[sflag:s16] =	ssyncadd.s32 $0xFFFFE600  }
0x6a: {  	_ =	swait.ge [sflag:s12], $0x1A00  }
0x6b: {  	[sflag:s12] =	ssyncset.done $0x0  }
0x6c: {  	[sflag:s12] =	ssyncadd.s32 $0xFFFFE600  }
0x6d: {  	_ =	sfence.sel $0x180000  }
0x6e: {  	[bflag:$0x0] =	sbarrier.arrive $0xFFFF  }
0x6f: {  	p0 =	sne.s32 s1, $0x0;
	_ =	strace $0x90000047  }
0x70: {  	s0 =	sadd.s32 @!p0 $0x100000, s0;
	[bflag:$0x2] =	sbarrier.arrive $0xFFFF  }
0x71: {  	[sflag:s0] =	ssyncadd.tile.s32 @!p0 $0x1;
	_ =	shalt  }
.Lfunc_end2:
_tile_overlayer_lowered:
.L_overlay_start_2:
0x72: {  	(tag) =	ssettag $0x2  }
0x73: {  	s0 =	rddreg [dreg:$0x0];
	s2 =	stileid.u32  }
0x74: {  	s1 =	rddreg [dreg:$0x1];
	p0 =	sne.s32 s2, $0x0  }
0x75: {  	s3 =	rddreg [dreg:$0x2];
	[bflag:$0x3] =	sbarrier.arrive $0xFFFF;
	s2 =	simm.s32 @!p0 $0x1C03  }
0x76: {  	[timem:s3], [sflag:s2] =	dma.local @!p0 [hbm:s0], s1  }
0x77: {  	s0 =	simm.s32 @!p0 $0x3  }
0x78: {  	_ =	swait.ge @!p0 [sflag:s0], s1  }
0x79: {  	s1 =	ssub.s32 @!p0 $0x0, s1;
	[sflag:s0] =	ssyncset.done @!p0 $0x0  }
0x7a: {  	[sflag:s0] =	ssyncadd.s32 @!p0 s1  }
0x7b: {  	[bflag:$0x3] =	sbarrier.arrive $0xFFFF  }
0x7c: {  	_ =	shalt  }

</sc_bundles>
